<compile_context>
chip_gen: v7x
topology: tpu7x:2x2x1
jax: 0.10.2.dev20260603
libtpu: 0.0.44.dev20260713+nightly
codegen_flags: <defaults>
</compile_context>

<pallas_src>
import jax
import jax.numpy as jnp
from jax import lax
from jax.experimental import pallas as pl
from jax.experimental.pallas import tpu as pltpu
from jax.experimental.pallas import tpu_sc as plsc

VOCAB = 51
EMB_DIM = 100
OUT_DIM = 51
BATCH = 4096
SEQ = 200

_PAD = 128
_N = BATCH * SEQ
_NP = _N // 2
_V2 = VOCAB * VOCAB
_NW = 32
_PER_W = _NP // _NW
_CHUNK = 128
_NB = _PER_W // _CHUNK
_IDX_R = _NP // 128


def _prep_body(e_ref, w_ref, b_ref, xe_ref, xo_ref, t2_ref, idx_ref):
    t = (
        jnp.dot(e_ref[...], w_ref[...], preferred_element_type=jnp.float32)
        + b_ref[...]
    )
    rows = lax.broadcasted_iota(jnp.int32, (_V2, VOCAB), 0)
    cols = lax.broadcasted_iota(jnp.int32, (_V2, VOCAB), 1)
    one_a = (rows // VOCAB == cols).astype(jnp.float32)
    one_b = (rows % VOCAB == cols).astype(jnp.float32)
    left = jnp.dot(one_a, t, preferred_element_type=jnp.float32)
    right = jnp.dot(one_b, t, preferred_element_type=jnp.float32)
    pad = jnp.zeros((_V2, _PAD - 2 * OUT_DIM), jnp.float32)
    t2_ref[...] = jnp.concatenate([left, right, pad], axis=1)
    idx_ref[...] = xe_ref[...] * VOCAB + xo_ref[...]


def _prep(emb_table, W, b, xe, xo):
    return pl.pallas_call(
        _prep_body,
        out_shape=[
            jax.ShapeDtypeStruct((_V2, _PAD), jnp.float32),
            jax.ShapeDtypeStruct((_IDX_R, 128), jnp.int32),
        ],
    )(emb_table, W, b.reshape(1, OUT_DIM), xe, xo)


def _sc_body(table_hbm, idx_hbm, out_hbm, idx_v, rows_v, sem):
    wid = lax.axis_index("s") * 2 + lax.axis_index("c")
    base = wid * _PER_W
    pltpu.sync_copy(idx_hbm.at[pl.ds(base, _PER_W)], idx_v)

    def body(g, carry):
        start = g * _CHUNK
        pltpu.async_copy(
            table_hbm.at[idx_v.at[pl.ds(start, _CHUNK)]], rows_v, sem
        ).wait()
        pltpu.sync_copy(rows_v, out_hbm.at[pl.ds(base + start, _CHUNK)])
        return carry

    lax.fori_loop(0, _NB, body, 0)


def _sc_gather(table2, idx2):
    mesh = plsc.VectorSubcoreMesh(core_axis_name="c", subcore_axis_name="s")
    f = pl.kernel(
        _sc_body,
        mesh=mesh,
        out_type=jax.ShapeDtypeStruct((_NP, _PAD), jnp.float32),
        scratch_types=[
            pltpu.VMEM((_PER_W,), jnp.int32),
            pltpu.VMEM((_CHUNK, _PAD), jnp.float32),
            pltpu.SemaphoreType.DMA,
        ],
    )
    return f(table2, idx2)


def kernel(x, emb_table, W, b):
    xf = x.reshape(_NP, 2).astype(jnp.int32)
    xe = xf[:, 0].reshape(_IDX_R, 128)
    xo = xf[:, 1].reshape(_IDX_R, 128)
    table2, idx2 = _prep(emb_table, W, b, xe, xo)
    out = _sc_gather(table2, idx2.reshape(_NP))
    return out[:, : 2 * OUT_DIM].reshape(BATCH, SEQ, OUT_DIM)

# --- scband reference (transcript-rebuilt; emitter-appended) ---
"""Pipeline reference for scband-model-11879879542494 (READ-ONLY COPY).

The authoritative reference and input builder live on the scoring server;
editing this copy changes nothing except your own understanding.
"""

import jax, jax.numpy as jnp
import numpy as np

VOCAB = 51
EMB_DIM = 100
OUT_DIM = 51
BATCH = 4096
SEQ = 200


def setup_inputs(seed: int = 0) -> dict:
    key = jax.random.key(seed)
    k1, k2, k3 = jax.random.split(key, 3)
    x = jax.random.randint(k1, (BATCH, SEQ), 0, VOCAB, dtype=jnp.int64 if jax.config.jax_enable_x64 else jnp.int32)
    emb_table = jax.random.normal(k2, (VOCAB, EMB_DIM), dtype=jnp.float32) * 0.05
    W = jax.random.normal(k3, (EMB_DIM, OUT_DIM), dtype=jnp.float32) * (1.0 / np.sqrt(EMB_DIM))
    b = jnp.zeros((OUT_DIM,), dtype=jnp.float32)
    return {"x": x, "emb_table": emb_table, "W": W, "b": b}


def reference(x, emb_table, W, b):
    # Embedding lookup: gather rows of the table by integer index
    h = jnp.take(emb_table, x, axis=0)          # [B, S, EMB_DIM]
    # Dense layer applied to the last dimension (Keras Dense semantics)
    out = jnp.einsum('bse,eo->bso', h, W) + b    # [B, S, OUT_DIM]
    return out

if __name__ == "__main__":
    import jax
    _d = setup_inputs()
    print(jax.jit(kernel)(*tuple(_d.values())))

</pallas_src>

<mosaic_0001>
#map = affine_map<(d0, d1) -> (0, 0)>
#map1 = affine_map<(d0, d1) -> (0)>
module attributes {stable_mosaic.version = 14 : i64} {
  func.func @_sc_body(%arg0: i32, %arg1: i32, %arg2: memref<2601x128xf32, #tpu.memory_space<hbm>>, %arg3: memref<409600xi32, #tpu.memory_space<hbm>>, %arg4: memref<409600x128xf32, #tpu.memory_space<hbm>>, %arg5: memref<12800xi32, #tpu.memory_space<vmem>>, %arg6: memref<128x128xf32, #tpu.memory_space<vmem>>, %arg7: memref<!tpu.dma_semaphore, #tpu.memory_space<semaphore_mem>>) attributes {dimension_semantics = [#tpu.dimension_semantics<core_parallel>, #tpu.dimension_semantics<subcore_parallel>], iteration_bounds = array<i64: 2, 16>, scalar_prefetch = 0 : i64, scratch_operands = 3 : i64, tpu.core_type = #tpu.core_type<sc_vector_subcore>, window_params = [{transform_indices = #map}, {transform_indices = #map1}, {transform_indices = #map}]} {
    %mul3A = arith.constant 2 : i32
    %mul3A_0 = arith.muli %arg1, %mul3A : i32
    %add3A = arith.addi %mul3A_0, %arg0 : i32
    %mul3A_1 = arith.constant 12800 : i32
    %mul3A_2 = arith.muli %add3A, %mul3A_1 : i32
    "tpu.region"() ({
      %run_scoped3A = tpu.sem_alloc : memref<!tpu.dma_semaphore, #tpu.memory_space<semaphore_mem>>
      %dma_start3A = tpu.memref_slice %arg3[%mul3A_2] : memref<409600xi32, #tpu.memory_space<hbm>> -> memref<12800xi32, #tpu.memory_space<hbm>>
      %dma_start3A_8 = tpu.memref_slice %arg3[%mul3A_2] : memref<409600xi32, #tpu.memory_space<hbm>> -> memref<12800xi32, #tpu.memory_space<hbm>>
      tpu.enqueue_dma source(%dma_start3A_8 : memref<12800xi32, #tpu.memory_space<hbm>>) target(%arg5 : memref<12800xi32, #tpu.memory_space<vmem>>) target_semaphore(%run_scoped3A : memref<!tpu.dma_semaphore, #tpu.memory_space<semaphore_mem>>)
      %dma_wait3A = tpu.memref_slice %arg3[%mul3A_2] : memref<409600xi32, #tpu.memory_space<hbm>> -> memref<12800xi32, #tpu.memory_space<hbm>>
      %dma_wait3A_9 = tpu.memref_slice %arg3[%mul3A_2] : memref<409600xi32, #tpu.memory_space<hbm>> -> memref<12800xi32, #tpu.memory_space<hbm>>
      tpu.wait_dma2 semaphore(%run_scoped3A : memref<!tpu.dma_semaphore, #tpu.memory_space<semaphore_mem>>) src(%dma_wait3A_9 : memref<12800xi32, #tpu.memory_space<hbm>>) dst(%arg5 : memref<12800xi32, #tpu.memory_space<vmem>>)
      tpu.yield
    }) : () -> ()
    %scan3A = arith.constant 0 : i32
    %scan3A_3 = arith.constant 0 : i32
    %scan3A_4 = arith.constant 100 : i32
    %scan3A_5 = arith.addi %scan3A_3, %scan3A_4 : i32
    %scan3A_6 = arith.constant 1 : i32
    scf.for %scan3A_8 = %scan3A_3 to %scan3A_5 step %scan3A_6  : i32 {
      %mul3A_9 = arith.constant 128 : i32
      %mul3A_10 = arith.muli %scan3A_8, %mul3A_9 : i32
      %dma_start3A = tpu.memref_slice %arg5[%mul3A_10] : memref<12800xi32, #tpu.memory_space<vmem>> -> memref<128xi32, #tpu.memory_space<vmem>>
      %dma_start3A_11 = arith.constant 0 : i32
      %dma_start3A_12 = arith.constant 0 : i32
      %dma_start3A_13 = tpu.memref_slice %arg2[%dma_start3A_11, %dma_start3A_12] : memref<2601x128xf32, #tpu.memory_space<hbm>> -> memref<2601x128xf32, #tpu.memory_space<hbm>>
      tpu.enqueue_indirect_dma source(%dma_start3A_13 : memref<2601x128xf32, #tpu.memory_space<hbm>>) target(%arg6 : memref<128x128xf32, #tpu.memory_space<vmem>>) offsets(%dma_start3A : memref<128xi32, #tpu.memory_space<vmem>>) semaphore(%arg7 : memref<!tpu.dma_semaphore, #tpu.memory_space<semaphore_mem>>)
      %dma_wait3A = tpu.memref_slice %arg5[%mul3A_10] : memref<12800xi32, #tpu.memory_space<vmem>> -> memref<128xi32, #tpu.memory_space<vmem>>
      %dma_wait3A_14 = arith.constant 0 : i32
      %dma_wait3A_15 = arith.constant 0 : i32
      %dma_wait3A_16 = tpu.memref_slice %arg2[%dma_wait3A_14, %dma_wait3A_15] : memref<2601x128xf32, #tpu.memory_space<hbm>> -> memref<2601x128xf32, #tpu.memory_space<hbm>>
      tpu.wait_indirect_dma semaphore(%arg7 : memref<!tpu.dma_semaphore, #tpu.memory_space<semaphore_mem>>) src(%dma_wait3A_16 : memref<2601x128xf32, #tpu.memory_space<hbm>>) dst(%arg6 : memref<128x128xf32, #tpu.memory_space<vmem>>)
      %add3A_17 = arith.addi %mul3A_2, %mul3A_10 : i32
      "tpu.region"() ({
        %run_scoped3A = tpu.sem_alloc : memref<!tpu.dma_semaphore, #tpu.memory_space<semaphore_mem>>
        %dma_start3A_18 = arith.constant 0 : i32
        %dma_start3A_19 = tpu.memref_slice %arg4[%add3A_17, %dma_start3A_18] : memref<409600x128xf32, #tpu.memory_space<hbm>> -> memref<128x128xf32, #tpu.memory_space<hbm>>
        %dma_start3A_20 = arith.constant 0 : i32
        %dma_start3A_21 = tpu.memref_slice %arg4[%add3A_17, %dma_start3A_20] : memref<409600x128xf32, #tpu.memory_space<hbm>> -> memref<128x128xf32, #tpu.memory_space<hbm>>
        tpu.enqueue_dma source(%arg6 : memref<128x128xf32, #tpu.memory_space<vmem>>) target(%dma_start3A_21 : memref<128x128xf32, #tpu.memory_space<hbm>>) target_semaphore(%run_scoped3A : memref<!tpu.dma_semaphore, #tpu.memory_space<semaphore_mem>>)
        %dma_wait3A_22 = arith.constant 0 : i32
        %dma_wait3A_23 = tpu.memref_slice %arg4[%add3A_17, %dma_wait3A_22] : memref<409600x128xf32, #tpu.memory_space<hbm>> -> memref<128x128xf32, #tpu.memory_space<hbm>>
        %dma_wait3A_24 = arith.constant 0 : i32
        %dma_wait3A_25 = tpu.memref_slice %arg4[%add3A_17, %dma_wait3A_24] : memref<409600x128xf32, #tpu.memory_space<hbm>> -> memref<128x128xf32, #tpu.memory_space<hbm>>
        tpu.wait_dma2 semaphore(%run_scoped3A : memref<!tpu.dma_semaphore, #tpu.memory_space<semaphore_mem>>) src(%arg6 : memref<128x128xf32, #tpu.memory_space<vmem>>) dst(%dma_wait3A_25 : memref<128x128xf32, #tpu.memory_space<hbm>>)
        tpu.yield
      }) : () -> ()
    }
    %scan3A_7 = arith.constant 100 : i32
    return
  }
}

module attributes {stable_mosaic.version = 14 : i64} {
  func.func @_prep_body(%arg0: memref<51x100xf32, #tpu.memory_space<vmem>>, %arg1: memref<100x51xf32, #tpu.memory_space<vmem>>, %arg2: memref<1x51xf32, #tpu.memory_space<vmem>>, %arg3: memref<3200x128xi32, #tpu.memory_space<vmem>>, %arg4: memref<3200x128xi32, #tpu.memory_space<vmem>>, %arg5: memref<2601x128xf32, #tpu.memory_space<vmem>>, %arg6: memref<3200x128xi32, #tpu.memory_space<vmem>>) attributes {dimension_semantics = [], scalar_prefetch = 0 : i64, scratch_operands = 0 : i64, tpu.core_type = #tpu.core_type<tc>} {
    %get3A = arith.constant 0 : index
    %get3A_0 = arith.constant 0 : index
    %get3A_1 = vector.load %arg0[%get3A, %get3A_0] : memref<51x100xf32, #tpu.memory_space<vmem>>, vector<51x100xf32>
    %get3A_2 = arith.constant 0 : index
    %get3A_3 = arith.constant 0 : index
    %get3A_4 = vector.load %arg1[%get3A_2, %get3A_3] : memref<100x51xf32, #tpu.memory_space<vmem>>, vector<100x51xf32>
    %dot_general3A = arith.constant dense<0.000000e+00> : vector<51x51xf32>
    %dot_general3A_5 = tpu.matmul %get3A_1, %get3A_4, %dot_general3A {dimension_numbers = #tpu.dot_dimension_numbers<[1], [0], [0], [1], [0, 0, 1, 1], [], []>, transpose_lhs_hint = false} : vector<51x100xf32>, vector<100x51xf32>, vector<51x51xf32> -> vector<51x51xf32>
    %get3A_6 = arith.constant 0 : index
    %get3A_7 = arith.constant 0 : index
    %get3A_8 = vector.load %arg2[%get3A_6, %get3A_7] : memref<1x51xf32, #tpu.memory_space<vmem>>, vector<1x51xf32>
    %add3A = vector.broadcast %get3A_8 : vector<1x51xf32> to vector<51x51xf32>
    %add3A_9 = arith.addf %dot_general3A_5, %add3A : vector<51x51xf32>
    %iota3A = tpu.iota {dimensions = array<i32: 0>} : vector<2601x51xi32>
    %iota3A_10 = tpu.iota {dimensions = array<i32: 1>} : vector<2601x51xi32>
    %jit3A = arith.constant 51 : i32
    %div3A = vector.broadcast %jit3A : i32 to vector<2601x51xi32>
    %div3A_11 = arith.divsi %iota3A, %div3A : vector<2601x51xi32>
    %sign3A = arith.constant 0 : i32
    %sign3A_12 = vector.broadcast %sign3A : i32 to vector<2601x51xi32>
    %sign3A_13 = arith.cmpi sgt, %iota3A, %sign3A_12 : vector<2601x51xi32>
    %sign3A_14 = arith.extui %sign3A_13 : vector<2601x51xi1> to vector<2601x51xi32>
    %sign3A_15 = arith.constant 0 : i32
    %sign3A_16 = vector.broadcast %sign3A_15 : i32 to vector<2601x51xi32>
    %sign3A_17 = arith.cmpi slt, %iota3A, %sign3A_16 : vector<2601x51xi32>
    %sign3A_18 = arith.extui %sign3A_17 : vector<2601x51xi1> to vector<2601x51xi32>
    %sign3A_19 = arith.subi %sign3A_14, %sign3A_18 : vector<2601x51xi32>
    %sign3A_20 = arith.constant 0 : i32
    %sign3A_21 = arith.cmpi sgt, %jit3A, %sign3A_20 : i32
    %sign3A_22 = arith.extui %sign3A_21 : i1 to i32
    %sign3A_23 = arith.constant 0 : i32
    %sign3A_24 = arith.cmpi slt, %jit3A, %sign3A_23 : i32
    %sign3A_25 = arith.extui %sign3A_24 : i1 to i32
    %sign3A_26 = arith.subi %sign3A_22, %sign3A_25 : i32
    %ne3A = vector.broadcast %sign3A_26 : i32 to vector<2601x51xi32>
    %ne3A_27 = arith.cmpi ne, %sign3A_19, %ne3A : vector<2601x51xi32>
    %rem3A = vector.broadcast %jit3A : i32 to vector<2601x51xi32>
    %rem3A_28 = arith.remsi %iota3A, %rem3A : vector<2601x51xi32>
    %ne3A_29 = arith.constant 0 : i32
    %ne3A_30 = vector.broadcast %ne3A_29 : i32 to vector<2601x51xi32>
    %ne3A_31 = arith.cmpi ne, %rem3A_28, %ne3A_30 : vector<2601x51xi32>
    %and3A = arith.andi %ne3A_27, %ne3A_31 : vector<2601x51xi1>
    %sub3A = arith.constant 1 : i32
    %sub3A_32 = vector.broadcast %sub3A : i32 to vector<2601x51xi32>
    %sub3A_33 = arith.subi %div3A_11, %sub3A_32 : vector<2601x51xi32>
    %select_n3A = arith.select %and3A, %sub3A_33, %div3A_11 : vector<2601x51xi1>, vector<2601x51xi32>
    %eq3A = arith.cmpi eq, %select_n3A, %iota3A_10 : vector<2601x51xi32>
    %convert_element_type3A = arith.extui %eq3A : vector<2601x51xi1> to vector<2601x51xi32>
    %convert_element_type3A_34 = arith.sitofp %convert_element_type3A : vector<2601x51xi32> to vector<2601x51xf32>
    %jit3A_35 = arith.constant 51 : i32
    %eq3A_36 = arith.constant 0 : i32
    %eq3A_37 = arith.cmpi eq, %jit3A_35, %eq3A_36 : i32
    %jit3A_38 = arith.constant 1 : i32
    %select_n3A_39 = arith.select %eq3A_37, %jit3A_38, %jit3A_35 : i32
    %rem3A_40 = vector.broadcast %select_n3A_39 : i32 to vector<2601x51xi32>
    %rem3A_41 = arith.remsi %iota3A, %rem3A_40 : vector<2601x51xi32>
    %ne3A_42 = arith.constant 0 : i32
    %ne3A_43 = vector.broadcast %ne3A_42 : i32 to vector<2601x51xi32>
    %ne3A_44 = arith.cmpi ne, %rem3A_41, %ne3A_43 : vector<2601x51xi32>
    %lt3A = arith.constant 0 : i32
    %lt3A_45 = vector.broadcast %lt3A : i32 to vector<2601x51xi32>
    %lt3A_46 = arith.cmpi slt, %rem3A_41, %lt3A_45 : vector<2601x51xi32>
    %lt3A_47 = arith.constant 0 : i32
    %lt3A_48 = arith.cmpi slt, %select_n3A_39, %lt3A_47 : i32
    %ne3A_49 = vector.broadcast %lt3A_48 : i1 to vector<2601x51xi1>
    %ne3A_50 = vector.broadcast %ne3A_49 : vector<2601x51xi1> to vector<2601x51xi1>
    %ne3A_51 = arith.xori %lt3A_46, %ne3A_50 : vector<2601x51xi1>
    %and3A_52 = arith.andi %ne3A_51, %ne3A_44 : vector<2601x51xi1>
    %add3A_53 = vector.broadcast %select_n3A_39 : i32 to vector<2601x51xi32>
    %add3A_54 = arith.addi %rem3A_41, %add3A_53 : vector<2601x51xi32>
    %select_n3A_55 = arith.select %and3A_52, %add3A_54, %rem3A_41 : vector<2601x51xi1>, vector<2601x51xi32>
    %eq3A_56 = arith.cmpi eq, %select_n3A_55, %iota3A_10 : vector<2601x51xi32>
    %convert_element_type3A_57 = arith.extui %eq3A_56 : vector<2601x51xi1> to vector<2601x51xi32>
    %convert_element_type3A_58 = arith.sitofp %convert_element_type3A_57 : vector<2601x51xi32> to vector<2601x51xf32>
    %dot_general3A_59 = arith.constant dense<0.000000e+00> : vector<2601x51xf32>
    %dot_general3A_60 = tpu.matmul %convert_element_type3A_34, %add3A_9, %dot_general3A_59 {dimension_numbers = #tpu.dot_dimension_numbers<[1], [0], [0], [1], [0, 0, 1, 1], [], []>, transpose_lhs_hint = false} : vector<2601x51xf32>, vector<51x51xf32>, vector<2601x51xf32> -> vector<2601x51xf32>
    %dot_general3A_61 = arith.constant dense<0.000000e+00> : vector<2601x51xf32>
    %dot_general3A_62 = tpu.matmul %convert_element_type3A_58, %add3A_9, %dot_general3A_61 {dimension_numbers = #tpu.dot_dimension_numbers<[1], [0], [0], [1], [0, 0, 1, 1], [], []>, transpose_lhs_hint = false} : vector<2601x51xf32>, vector<51x51xf32>, vector<2601x51xf32> -> vector<2601x51xf32>
    %broadcast_in_dim3A = arith.constant 0.000000e+00 : f32
    %broadcast_in_dim3A_63 = vector.broadcast %broadcast_in_dim3A : f32 to vector<2601x26xf32>
    %concatenate3A = tpu.concatenate %dot_general3A_60, %dot_general3A_62, %broadcast_in_dim3A_63 in 1 : vector<2601x51xf32>, vector<2601x51xf32>, vector<2601x26xf32> -> vector<2601x128xf32>
    %swap3A = arith.constant 0 : index
    %swap3A_64 = arith.constant 0 : index
    %swap3A_65 = vector.load %arg5[%swap3A, %swap3A_64] : memref<2601x128xf32, #tpu.memory_space<vmem>>, vector<2601x128xf32>
    tpu.vector_store %arg5[%swap3A, %swap3A_64], %concatenate3A {strides = array<i32>} : memref<2601x128xf32, #tpu.memory_space<vmem>>, vector<2601x128xf32>,
    %get3A_66 = arith.constant 0 : index
    %get3A_67 = arith.constant 0 : index
    %get3A_68 = vector.load %arg3[%get3A_66, %get3A_67] : memref<3200x128xi32, #tpu.memory_space<vmem>>, vector<3200x128xi32>
    %mul3A = arith.constant 51 : i32
    %mul3A_69 = vector.broadcast %mul3A : i32 to vector<3200x128xi32>
    %mul3A_70 = arith.muli %get3A_68, %mul3A_69 : vector<3200x128xi32>
    %get3A_71 = arith.constant 0 : index
    %get3A_72 = arith.constant 0 : index
    %get3A_73 = vector.load %arg4[%get3A_71, %get3A_72] : memref<3200x128xi32, #tpu.memory_space<vmem>>, vector<3200x128xi32>
    %add3A_74 = arith.addi %mul3A_70, %get3A_73 : vector<3200x128xi32>
    %swap3A_75 = arith.constant 0 : index
    %swap3A_76 = arith.constant 0 : index
    %swap3A_77 = vector.load %arg6[%swap3A_75, %swap3A_76] : memref<3200x128xi32, #tpu.memory_space<vmem>>, vector<3200x128xi32>
    tpu.vector_store %arg6[%swap3A_75, %swap3A_76], %add3A_74 {strides = array<i32>} : memref<3200x128xi32, #tpu.memory_space<vmem>>, vector<3200x128xi32>,
    return
  }
}

</mosaic_0001>

<sc_bundles>
// kernel: kernel.4.cloned.1.call-start
scs
__scs_entry_jumppad:
0x0: {  	(pc) =	sbr.rel $0x88, $3  }
0x1: {  	(tag) =	ssettag $0x0;
	lr =	simm.s32 $0x1  }
0x2: {  	[smem:$0x3F9D] =	sst lr;
	_ =	strace $0xD0000000  }
0x3: {  	_ = 	snop  }
0x4: {  	_ = 	snop  }
0x5: {  	_ = 	snop  }
0x6: {  	_ = 	snop  }
0x7: {  	_ = 	snop  }
__scs_overlays_trampoline_lowered:
0x8: {  	[smem:$0x3FAC] =	sst s0  }
0x9: {  	[smem:$0x3FAD] =	sst s1  }
0xa: {  	[smem:$0x3FAE] =	sst s2  }
0xb: {  	[smem:$0x3FAF] =	sst s3  }
0xc: {  	[smem:$0x3FB0] =	sst s4  }
0xd: {  	[smem:$0x3FB1] =	sst s5  }
0xe: {  	[smem:$0x3FB2] =	sst s6  }
0xf: {  	[smem:$0x3FB3] =	sst s7  }
0x10: {  	[smem:$0x3FB4] =	sst s8  }
0x11: {  	[smem:$0x3FB5] =	sst s9;
	s0 =	simm.s32 @!p0 $0x0  }
0x12: {  	s1 =	sld [smem:$0x3F9B];
	s0 =	simm.s32 @p0 $0x1  }
0x13: {  	[smem:$0x3FB6] =	sst s0;
	s0 =	simm.s32 @!p1 $0x0  }
0x14: {  	s2 =	sld [smem:$0x3F9A];
	s0 =	simm.s32 @p1 $0x1  }
0x15: {  	[smem:$0x3FB7] =	sst s0;
	s0 =	simm.s32 @!p2 $0x0  }
0x16: {  	s3 =	sld [smem:$0x3FDB];
	s0 =	simm.s32 @p2 $0x1  }
0x17: {  	s4 =	simm.s32 $0x1BF5;
	[smem:$0x3FB9] =	sst s0  }
0x18: {  	s0 =	sld [smem:$0x3F9C];
	_ =	swait.ge [sflag:s4], $0x0  }
0x19: {  	s7 =	sld [smem:$0x3F9D]  }
0x1a: {  	s8 =	sadd.s32 $0xFFFFE003, lr  }
0x1b: {  	s9 =	sadd.s32 $0xFFFFFEF7, lr;
	s5 =	simm.s32 $0xFFFFFFFF;
	p2 =	slt.u32 s8, $0xFFFFF086  }
0x1c: {  	p1 =	slt.u32 s9, $0xF7A;
	s5 =	simm.s32 @!p2 $0x0  }
0x1d: {  	s5 =	simm.s32 @p1 $0x1;
	p0 =	seq.s32 s7, s2  }
0x1e: {  	s7 =	smul.u32 @!p0 $0xF7A, s2;
	p2 =	seq.s32 @!p0 s5, $0x0  }
0x1f: {  	s9 =	smul.u32 $0xF7A, s1;
	s8 =	simm.s32 @!p0 $0x1BF5;
	p2 =	por !p2, p0  }
0x20: {  	[sflag:s8] =	ssyncset.s32 @!p0 $0xFFFFF086;
	s6 =	sadd.s32 @!p0 s3, s7;
	s7 =	simm.s32 @!p0 $0x108  }
0x21: {  	s3 =	sadd.s32 s3, s9;
	s6 =	sadd.s32 @!p0 $0x88, s6;
	s7 =	simm.s32 @p2 $0x1082  }
0x22: {  	[simem:s7], [sflag:s8] =	dma.local @!p0 [hbm:s6], $0xF7A  }
0x23: {  	s9 =	sor.u32 $0xD0000000, s2;
	s6 =	simm.s32 $0x108;
	_ =	swait.ge @!p0 [sflag:s8], $0x0  }
0x24: {  	s3 =	sadd.s32 $0x88, s3;
	s6 =	simm.s32 @!p1 $0x1082;
	[sflag:s4] =	ssyncset.s32 $0xFFFFF086  }
0x25: {  	[simem:s6], [sflag:s4] =	dma.local [hbm:s3], $0xF7A  }
0x26: {  	[smem:$0x3F9D] =	sst s1;
	(tag) =	ssettag s2;
	_ =	strace s9  }
0x27: {  	s1 =	sld [smem:$0x3FAD]  }
0x28: {  	s2 =	sld [smem:$0x3FAE]  }
0x29: {  	s4 =	sld [smem:$0x3FB0]  }
0x2a: {  	p0 =	seq.s32 s5, $0x0;
	s5 =	sld [smem:$0x3FB1]  }
0x2b: {  	s6 =	sld [smem:$0x3FB2]  }
0x2c: {  	s7 =	sld [smem:$0x3FB3]  }
0x2d: {  	s3 =	simm.s32 $0x108;
	s8 =	sld [smem:$0x3FB4]  }
0x2e: {  	s3 =	simm.s32 @!p0 $0x1082;
	s9 =	sld [smem:$0x3FB5]  }
0x2f: {  	lr =	sadd.s32 s0, s3;
	s0 =	sld [smem:$0x3FAC]  }
0x30: {  	s3 =	sld [smem:$0x3FAF]  }
0x31: {  	[smem:$0x3FB8] =	sst s10  }
0x32: {  	s10 =	sld [smem:$0x3FB6];
	_ =	sdelay $0x3  }
0x33: {  	p0 =	seq.s32 s10, $0x1;
	s10 =	sld [smem:$0x3FB8];
	_ =	sdelay $0x3  }
0x34: {  	[smem:$0x3FB8] =	sst s10  }
0x35: {  	s10 =	sld [smem:$0x3FB7];
	_ =	sdelay $0x3  }
0x36: {  	p1 =	seq.s32 s10, $0x1;
	s10 =	sld [smem:$0x3FB8];
	_ =	sdelay $0x3  }
0x37: {  	[smem:$0x3FB8] =	sst s10  }
0x38: {  	s10 =	sld [smem:$0x3FB9]  }
0x39: {  	_ = 	snop;
	(pc) =	sbr.ind lr, $3  }
0x3a: {  	_ = 	snop  }
0x3b: {  	_ = 	snop  }
0x3c: {  	p2 =	seq.s32 s10, $0x1;
	s10 =	sld [smem:$0x3FB8]  }
0x3d: {  	_ =	shalt  }
0x3e: {  	_ =	shalt  }
0x3f: {  	_ =	shalt  }
0x40: {  	_ =	shalt  }
0x41: {  	_ =	shalt  }
0x42: {  	_ =	shalt  }
0x43: {  	_ =	shalt  }
0x44: {  	_ =	shalt  }
0x45: {  	_ =	shalt  }
0x46: {  	_ =	shalt  }
0x47: {  	_ =	shalt  }
0x48: {  	_ =	shalt  }
0x49: {  	_ =	shalt  }
0x4a: {  	_ =	shalt  }
0x4b: {  	_ =	shalt  }
0x4c: {  	_ =	shalt  }
0x4d: {  	_ =	shalt  }
0x4e: {  	_ =	shalt  }
0x4f: {  	_ =	shalt  }
0x50: {  	_ =	shalt  }
0x51: {  	_ =	shalt  }
0x52: {  	_ =	shalt  }
0x53: {  	_ =	shalt  }
0x54: {  	_ =	shalt  }
0x55: {  	_ =	shalt  }
0x56: {  	_ =	shalt  }
0x57: {  	_ =	shalt  }
0x58: {  	_ =	shalt  }
0x59: {  	_ =	shalt  }
0x5a: {  	_ =	shalt  }
0x5b: {  	_ =	shalt  }
0x5c: {  	_ =	shalt  }
0x5d: {  	_ =	shalt  }
0x5e: {  	_ =	shalt  }
0x5f: {  	_ =	shalt  }
0x60: {  	_ =	shalt  }
0x61: {  	_ =	shalt  }
0x62: {  	_ =	shalt  }
0x63: {  	_ =	shalt  }
0x64: {  	_ =	shalt  }
0x65: {  	_ =	shalt  }
0x66: {  	_ =	shalt  }
0x67: {  	_ =	shalt  }
0x68: {  	_ =	shalt  }
0x69: {  	_ =	shalt  }
0x6a: {  	_ =	shalt  }
0x6b: {  	_ =	shalt  }
0x6c: {  	_ =	shalt  }
0x6d: {  	_ =	shalt  }
0x6e: {  	_ =	shalt  }
0x6f: {  	_ =	shalt  }
0x70: {  	_ =	shalt  }
0x71: {  	_ =	shalt  }
0x72: {  	_ =	shalt  }
0x73: {  	_ =	shalt  }
0x74: {  	_ =	shalt  }
0x75: {  	_ =	shalt  }
0x76: {  	_ =	shalt  }
0x77: {  	_ =	shalt  }
0x78: {  	_ =	shalt  }
0x79: {  	_ =	shalt  }
0x7a: {  	_ =	shalt  }
0x7b: {  	_ =	shalt  }
0x7c: {  	_ =	shalt  }
0x7d: {  	_ =	shalt  }
0x7e: {  	_ =	shalt  }
0x7f: {  	_ =	shalt  }
0x80: {  	_ =	shalt  }
0x81: {  	_ =	shalt  }
0x82: {  	_ =	shalt  }
0x83: {  	_ =	shalt  }
0x84: {  	_ =	shalt  }
0x85: {  	_ =	shalt  }
0x86: {  	_ =	shalt  }
0x87: {  	_ =	shalt  }
.Lfunc_end0:
.L_simem_size_0:
called_computation.1_lowered:
.L_overlay_start_0:
0x88: {  	s2 =	sld [smem:$0x3FD9]  }
0x89: {  	s3 =	sld [smem:$0x3FFE];
	_ =	sdelay $0x1  }
0x8a: {  	s1 =	srdreg.scid  }
0x8b: {  	s0 =	sand.u32 $0x1, s1  }
0x8c: {  	s17 =	sshll.u32 s0, $0xA;
	s2 =	sadd.s32 s3, s2  }
0x8d: {  	s2 =	sadd.s32 s2, s17  }
0x8e: {  	[smem:$0x3FC4] =	sst s2  }
0x8f: {  	_ = 	snop  }
0x90: {  	s2 =	sld [smem:$0x3FD0];
	(tm) =	ssettm $0x1  }
0x91: {  	s18 =	sld [smem:$0x3FFB];
	_ =	sdelay $0x3  }
0x92: {  	_ =	strace s18  }
0x93: {  	s3 =	sld [smem:$0x3FFC];
	_ =	sdelay $0x3  }
0x94: {  	_ =	strace s3  }
0x95: {  	s3 =	sld [smem:$0x3FFD];
	_ =	sdelay $0x3  }
0x96: {  	_ =	strace s3  }
0x97: {  	_ =	strace $0x8FFFFFFF  }
0x98: {  	s19 =	sld [smem:$0x3FDB];
	_ =	sdelay $0x1  }
0x99: {  	s4 =	simm.s32 $_scs_section_size  }
0x9a: {  	s5 =	simm.s32 $_size__tile_overlayer_lowered;
	s6 =	simm.s32 $_tile_overlayer_lowered  }
0x9b: {  	s22 =	simm.s32 $0x1BFF;
	s21 =	sshll.u32 s6, $0x1;
	s3 =	sadd.s32 s4, s19  }
0x9c: {  	s7 =	simm.s32 $0x0;
	s20 =	sshll.u32 s5, $0x1;
	s5 =	sadd.s32 s21, s3  }
0x9d: {  	[timem:s7], [sflag:s22] =	dma.local [hbm:s5], s20  }
0x9e: {  	_ =	swait.ge [sflag:s22], s20  }
0x9f: {  	s4 =	ssub.s32 $0x0, s20;
	[sflag:s22] =	ssyncset.done $0x0  }
0xa0: {  	[sflag:s22] =	ssyncadd.s32 s4;
	_ =	sdelay $0x1  }
0xa1: {  	s23 =	simm.s32 $0x1B8B  }
0xa2: {  	_ =	swait.ge [sflag:s23], $0x1  }
0xa3: {  	[sflag:s23] =	ssyncset.done $0x0  }
0xa4: {  	s25 =	simm.s32 $0x1B8E;
	s24 =	sld [smem:$0x3FFE];
	[sflag:s23] =	ssyncadd.s32 $0xFFFFFFFF  }
0xa5: {  	s26 =	simm.s32 $execute0_lowered;
	[smem:$0x3FD2] =	sst s25  }
0xa6: {  	s5 =	sshll.u32 s26, $0x1;
	_ =	strace $0x80000046;
	[dreg:$0x1] =	wrdreg $0xFFFFFFFF  }
0xa7: {  	s28 =	simm.s32 $_size_execute0_lowered;
	s3 =	sadd.s32 s3, s5;
	[dreg:$0x0] =	wrdreg $0x0  }
0xa8: {  	s5 =	sshll.u32 s28, $0x1;
	[dreg:$0x2] =	wrdreg s3  }
0xa9: {  	[dreg:$0x3] =	wrdreg s5  }
0xaa: {  	[dreg:$0x4] =	wrdreg $0xC0  }
0xab: {  	_ =	task [dreg:s7], $0x5FFFF  }
0xac: {  	[dreg:$0x1] =	wrdreg $0xFFFFFFFF  }
0xad: {  	[dreg:$0x0] =	wrdreg $0x60  }
0xae: {  	[dreg:$0x2] =	wrdreg s24  }
0xaf: {  	[dreg:$0x3] =	wrdreg s2  }
0xb0: {  	[dreg:$0x4] =	wrdreg $0x9  }
0xb1: {  	_ =	task.clear_ibuf [dreg:s7], $0x5FFFF;
	_ =	strace $0x90000046  }
0xb2: {  	s29 =	simm.s32 $0x9;
	_ =	strace $0x80000048  }
0xb3: {  	_ =	swait.ge [sflag:s29], $0x1  }
0xb4: {  	[sflag:s29] =	ssyncadd.s32 $0xFFFFFFFF  }
0xb5: {  	_ =	strace $0x90000048  }
0xb6: {  	_ =	sfence  }
0xb7: {  	s30 =	sld [smem:$0x0];
	_ =	sdelay $0x2  }
0xb8: {  	s31 =	sshll.u32 s1, $0xD;
	s1 =	sshrl.u32 s1, $0x2  }
0xb9: {  	s3 =	sand.u32 $0x4000, s31;
	s1 =	sadd.s32 s1, s30  }
0xba: {  	s0 =	sor.u32 s3, s0;
	s1 =	sshll.u32 s1, $0x11  }
0xbb: {  	s0 =	sor.u32 s1, s0  }
0xbc: {  	s0 =	sadd.s32 $0x8F2B, s0  }
0xbd: {  	[sflag:s0] =	ssyncadd.remote.s32 $0x1  }
0xbe: {  	_ =	sfence.sel $0xFFFF  }
0xbf: {  	[dreg:$0x0] =	wrdreg $0xFFFFFFFF;
	(pc) =	sbr.abs _section_cstart, $3  }
0xc0: {  	[dreg:$0x1] =	wrdreg $0xFFFFFFFF  }
0xc1: {  	_ =	task.clear_ibuf [dreg:s7], $0x2FFFF;
	_ =	strace $0x9FFFFFFF  }
0xc2: {  	(tm) =	ssettm $0x7FFFFFFF  }
0xc3: {  	_ =	shalt  }
tec
execute0_lowered:
.L_overlay_start_1:
0x0: {  	(tag) =	ssettag $0x1  }
0x1: {  	s4 =	rddreg [dreg:$0x0]  }
0x2: {  	s5 =	rddreg [dreg:$0x1]  }
0x3: {  	s0 =	rddreg [dreg:$0x2]  }
0x4: {  	s3 =	srdreg.scid;
	s1 =	stileid.u32  }
0x5: {  	s2 =	simm.s32 $0x0;
	s10 =	simm.s32 $0x1;
	s11 =	simm.s32 $0x0  }
0x6: {  	s3 =	sand.u32 $0x1, s3;
	s6 =	smul.u32 $0x320000, s1;
	[smem:$0x7FF] =	sst s2  }
0x7: {  	s8 =	sshll.u32 s1, $0x1;
	s7 =	smul.u32 $0x190000, s3;
	s9 =	ssub.s32 $0x2, s3  }
0x8: {  	_ =	strace $0x80000047;
	s3 =	sor.u32 s3, s8;
	s31 =	sshrl.u32 s9, $0x1  }
0x9: {  	s8 =	smul.u32 $0x640, s3;
	s3 =	sadd.s32 $0xC00, s4;
	s6 =	sadd.s32 s7, s6  }
0xa: {  	s7 =	ssub.s32 s9, s31;
	s9 =	simm.s32 $0x3200;
	s6 =	sshrl.u32 s6, $0x3  }
0xb: {  	s6 =	sadd.s32 s6, s4;
	s4 =	sadd.s32 s5, s8;
	s5 =	smax.u32 s7, $0x1  }
0xc: {  	s7 =	simm.s32 $0x2;
	s8 =	simm.s32 $0x80;
	s6 =	sadd.s32 $0xB000, s6  }
.LBB2_1:
0xd: {  	[tilespmem:s2], [sflag:$0x2] =	stream.linear.gather [hbm4b:s4+s2], $0x3200, $0x38;
	[tilespmem:$0x7200] =	vst v63  }
0xe: {  	_ =	swait.ge [sflag:s7], $0x3200  }
0xf: {  	[sflag:s7] =	ssyncset.done $0x0  }
0x10: {  	s12 =	simm.s32 $0x0;
	[sflag:s7] =	ssyncadd.s32 $0xFFFFCE00  }
0x11: {  	[tilespmem:s9], [sflag:$0x1] =	stream.indirect.gather [hbm4b:s3+s8], $0x80, s12, s8, $0xb8;
	[tilespmem:$0x7200] =	vst v63  }
0x12: {  	_ =	swait.ge [sflag:s10], $0x4000  }
0x13: {  	[sflag:s10] =	ssyncset.done $0x0  }
0x14: {  	[sflag:s10] =	ssyncadd.s32 $0xFFFFC000  }
0x15: {  	[hbm4b:s6+s2] =	stream.linear.scatter [tilespmem:s9], [sflag:$0x2], $0x4000, $0x38;
	[tilespmem:$0x7200] =	vst v63  }
0x16: {  	s13 =	simm.s32 $0x200;
	_ =	swait.ge [sflag:s7], $0x4000  }
0x17: {  	s14 =	simm.s32 $0x400;
	s12 =	sadd.s32 $0x800, s6;
	[sflag:s7] =	ssyncset.done $0x0  }
.LBB2_2:
0x18: {  	s15 =	sshra.s32 s13, $0x2  }
0x19: {  	[sflag:s7] =	ssyncadd.s32 $0xFFFFC000;
	s13 =	smov.u32 s14;
	s16 =	sadd.s32 $0x200, s14  }
0x1a: {  	[tilespmem:s9], [sflag:$0x1] =	stream.indirect.gather [hbm4b:s3+s8], $0x80, s15, s8, $0xb8;
	[tilespmem:$0x7200] =	vst v63  }
0x1b: {  	p0 =	sne.s32 s14, $0xC600;
	_ =	swait.ge [sflag:s10], $0x4000  }
.Ltmp0:
0x1c: {  	[sflag:s10] =	ssyncset.done $0x0;
	(pc) =	sbr.rel @p0 .LBB2_2-.Ltmp0, $4  }
0x1d: {  	[sflag:s10] =	ssyncadd.s32 $0xFFFFC000  }
0x1e: {  	[hbm4b:s12+s2] =	stream.linear.scatter [tilespmem:s9], [sflag:$0x2], $0x4000, $0x38;
	[tilespmem:$0x7200] =	vst v63  }
0x1f: {  	_ =	swait.ge [sflag:s7], $0x4000  }
0x20: {  	s14 =	smov.u32 s16;
	s12 =	sadd.s32 $0x800, s12;
	[sflag:s7] =	ssyncset.done $0x0  }
0x21: {  	s13 =	sshra.s32 s13, $0x2;
	[sflag:s7] =	ssyncadd.s32 $0xFFFFC000  }
0x22: {  	[tilespmem:s9], [sflag:$0x1] =	stream.indirect.gather [hbm4b:s3+s8], $0x80, s13, s8, $0xb8;
	[tilespmem:$0x7200] =	vst v63  }
0x23: {  	s11 =	sadd.s32 $0x1, s11;
	_ =	swait.ge [sflag:s10], $0x4000  }
0x24: {  	p0 =	sne.s32 s11, s5;
	[sflag:s10] =	ssyncset.done $0x0  }
.Ltmp1:
0x25: {  	[sflag:s10] =	ssyncadd.s32 $0xFFFFC000;
	(pc) =	sbr.rel @p0 .LBB2_1-.Ltmp1, $4  }
0x26: {  	[hbm4b:s12+s2] =	stream.linear.scatter [tilespmem:s9], [sflag:$0x2], $0x4000, $0x38;
	[tilespmem:$0x7200] =	vst v63  }
0x27: {  	_ =	swait.ge [sflag:s7], $0x4000  }
0x28: {  	[sflag:s7] =	ssyncset.done $0x0  }
0x29: {  	[sflag:s7] =	ssyncadd.s32 $0xFFFFC000  }
0x2a: {  	_ =	sfence.sel $0x180000  }
0x2b: {  	[bflag:$0x0] =	sbarrier.arrive $0xFFFF  }
0x2c: {  	p0 =	sne.s32 s1, $0x0;
	_ =	strace $0x90000047  }
0x2d: {  	s0 =	sadd.s32 @!p0 $0x100000, s0;
	[bflag:$0x2] =	sbarrier.arrive $0xFFFF  }
0x2e: {  	[sflag:s0] =	ssyncadd.tile.s32 @!p0 $0x1;
	_ =	shalt  }
.Lfunc_end2:
_tile_overlayer_lowered:
.L_overlay_start_2:
0x2f: {  	(tag) =	ssettag $0x2  }
0x30: {  	s0 =	rddreg [dreg:$0x0];
	s2 =	stileid.u32  }
0x31: {  	s1 =	rddreg [dreg:$0x1];
	p0 =	sne.s32 s2, $0x0  }
0x32: {  	s3 =	rddreg [dreg:$0x2];
	[bflag:$0x3] =	sbarrier.arrive $0xFFFF;
	s2 =	simm.s32 @!p0 $0x1C02  }
0x33: {  	[timem:s3], [sflag:s2] =	dma.local @!p0 [hbm:s0], s1  }
0x34: {  	s0 =	simm.s32 @!p0 $0x2  }
0x35: {  	_ =	swait.ge @!p0 [sflag:s0], s1  }
0x36: {  	s1 =	ssub.s32 @!p0 $0x0, s1;
	[sflag:s0] =	ssyncset.done @!p0 $0x0  }
0x37: {  	[sflag:s0] =	ssyncadd.s32 @!p0 s1  }
0x38: {  	[bflag:$0x3] =	sbarrier.arrive $0xFFFF  }
0x39: {  	_ =	shalt  }

// kernel: sparse-core-data-format-call.cloned.1.call-start
scs
called_computation_lowered:
.L_overlay_start_0:
0x0: {  	s2 =	sld [smem:$0x3FD9]  }
0x1: {  	s3 =	sld [smem:$0x3FFE];
	_ =	sdelay $0x1  }
0x2: {  	s1 =	srdreg.scid  }
0x3: {  	s0 =	sand.u32 $0x1, s1  }
0x4: {  	s18 =	sshll.u32 s0, $0xA;
	s2 =	sadd.s32 s3, s2  }
0x5: {  	s2 =	sadd.s32 s2, s18  }
0x6: {  	[smem:$0x3FC4] =	sst s2  }
0x7: {  	_ = 	snop  }
0x8: {  	s2 =	sld [smem:$0x3FD0];
	(tm) =	ssettm $0x1  }
0x9: {  	s19 =	sld [smem:$0x3FFB];
	_ =	sdelay $0x3  }
0xa: {  	_ =	strace s19  }
0xb: {  	s3 =	sld [smem:$0x3FFC];
	_ =	sdelay $0x3  }
0xc: {  	_ =	strace s3  }
0xd: {  	s3 =	sld [smem:$0x3FFD];
	_ =	sdelay $0x3  }
0xe: {  	_ =	strace s3  }
0xf: {  	_ =	strace $0x8FFFFFFF  }
0x10: {  	s20 =	sld [smem:$0x3FDB];
	_ =	sdelay $0x1  }
0x11: {  	s4 =	simm.s32 $_scs_section_size  }
0x12: {  	s5 =	simm.s32 $_size__tile_overlayer_lowered;
	s6 =	simm.s32 $_tile_overlayer_lowered  }
0x13: {  	s23 =	simm.s32 $0x1BFF;
	s22 =	sshll.u32 s6, $0x1;
	s3 =	sadd.s32 s4, s20  }
0x14: {  	s7 =	simm.s32 $0x0;
	s21 =	sshll.u32 s5, $0x1;
	s5 =	sadd.s32 s22, s3  }
0x15: {  	[timem:s7], [sflag:s23] =	dma.local [hbm:s5], s21  }
0x16: {  	_ =	swait.ge [sflag:s23], s21  }
0x17: {  	s4 =	ssub.s32 $0x0, s21;
	[sflag:s23] =	ssyncset.done $0x0  }
0x18: {  	[sflag:s23] =	ssyncadd.s32 s4;
	_ =	sdelay $0x1  }
0x19: {  	s24 =	simm.s32 $0x1B8B  }
0x1a: {  	_ =	swait.ge [sflag:s24], $0x1  }
0x1b: {  	[sflag:s24] =	ssyncset.done $0x0  }
0x1c: {  	s26 =	simm.s32 $0x1B8E;
	s25 =	sld [smem:$0x3FFE];
	[sflag:s24] =	ssyncadd.s32 $0xFFFFFFFF  }
0x1d: {  	s27 =	simm.s32 $execute0_lowered;
	[smem:$0x3FD2] =	sst s26  }
0x1e: {  	s5 =	sshll.u32 s27, $0x1;
	_ =	strace $0x80000049;
	[dreg:$0x1] =	wrdreg $0xFFFFFFFF  }
0x1f: {  	s28 =	simm.s32 $_size_execute0_lowered;
	s3 =	sadd.s32 s3, s5;
	[dreg:$0x0] =	wrdreg $0x0  }
0x20: {  	s5 =	sshll.u32 s28, $0x1;
	[dreg:$0x2] =	wrdreg s3  }
0x21: {  	[dreg:$0x3] =	wrdreg s5  }
0x22: {  	[dreg:$0x4] =	wrdreg $0xC0  }
0x23: {  	_ =	task [dreg:s7], $0x5FFFF  }
0x24: {  	[dreg:$0x1] =	wrdreg $0xFFFFFFFF  }
0x25: {  	[dreg:$0x0] =	wrdreg $0x60  }
0x26: {  	[dreg:$0x2] =	wrdreg s25  }
0x27: {  	[dreg:$0x3] =	wrdreg s2  }
0x28: {  	[dreg:$0x4] =	wrdreg $0x9  }
0x29: {  	_ =	task.clear_ibuf [dreg:s7], $0x5FFFF;
	_ =	strace $0x90000049  }
0x2a: {  	s29 =	simm.s32 $0x9;
	_ =	strace $0x8000004B  }
0x2b: {  	_ =	swait.ge [sflag:s29], $0x1  }
0x2c: {  	[sflag:s29] =	ssyncadd.s32 $0xFFFFFFFF  }
0x2d: {  	_ =	strace $0x9000004B  }
0x2e: {  	_ =	sfence  }
0x2f: {  	s30 =	sld [smem:$0x0];
	_ =	sdelay $0x2  }
0x30: {  	s31 =	sshll.u32 s1, $0xD;
	s1 =	sshrl.u32 s1, $0x2  }
0x31: {  	s3 =	sand.u32 $0x4000, s31;
	s1 =	sadd.s32 s1, s30  }
0x32: {  	s0 =	sor.u32 s3, s0;
	s1 =	sshll.u32 s1, $0x11  }
0x33: {  	s0 =	sor.u32 s1, s0  }
0x34: {  	s0 =	sadd.s32 $0x8F2B, s0  }
0x35: {  	[sflag:s0] =	ssyncadd.remote.s32 $0x1  }
0x36: {  	_ =	sfence.sel $0xFFFF  }
0x37: {  	[dreg:$0x0] =	wrdreg $0xFFFFFFFF;
	(pc) =	sbr.abs _section_cstart, $3  }
0x38: {  	[dreg:$0x1] =	wrdreg $0xFFFFFFFF  }
0x39: {  	_ =	task.clear_ibuf [dreg:s7], $0x2FFFF;
	_ =	strace $0x9FFFFFFF  }
0x3a: {  	(tm) =	ssettm $0x7FFFFFFF  }
0x3b: {  	_ =	shalt  }
tec
execute0_lowered:
.L_overlay_start_1:
0x0: {  	(tag) =	ssettag $0x1  }
0x1: {  	s0 =	srdreg.scid  }
0x2: {  	s1 =	sshll.u32 s0, $0x4  }
0x3: {  	s6 =	rddreg [dreg:$0x0];
	s0 =	stileid.u32;
	s1 =	sand.u32 $0x10, s1  }
0x4: {  	s3 =	rddreg [dreg:$0x1];
	s1 =	sor.u32 s0, s1  }
0x5: {  	s5 =	simm.s32 $0x1;
	s31 =	simm.s32 $0x2;
	s2 =	sshll.u32 s1, $0x7  }
0x6: {  	s15 =	simm.s32 $0x0;
	s8 =	simm.s32 $0xC8000;
	s4 =	ssub.s32 $0x1000, s2  }
0x7: {  	s14 =	simm.s32 $0x0;
	s9 =	simm.s32 $0x0;
	s30 =	sand.u32 $0xF80, s4  }
0x8: {  	s10 =	simm.s32 $0x0;
	s11 =	simm.s32 $0x0;
	p0 =	sne.s32 s30, $0x0  }
.Ltmp0:
0x9: {  	s7 =	sshrl.u32 s4, $0xC;
	s5 =	simm.s32 @!p0 $0x0;
	(pc) =	sbr.rel .LBB1_1-.Ltmp0, $4  }
0xa: {  	s13 =	simm.s32 $0x0;
	s1 =	rddreg [dreg:$0x2];
	s5 =	sadd.s32 s5, s7  }
0xb: {  	_ =	strace $0x8000004A;
	s4 =	simm.s32 $0x1;
	s5 =	smul.u32 $0xC8, s5  }
0xc: {  	s6 =	sadd.s32 $0x64B000, s6;
	s12 =	smov.u32 s2;
	[sflag:s4] =	ssyncpa.u1 $0x0  }
0xd: {  	[sflag:s31] =	ssyncpa.u1 $0x0;
	p0 =	por $0x0, $0x0;
	s7 =	sor.u32 $0x1, s5  }
.LBB1_4:
0xe: {  	s18 =	sshll.u32 s9, $0xC;
	s19 =	sand.u32 $0x78, s10;
	s20 =	sshll.u32 s10, $0x3  }
0xf: {  	s22 =	sshll.u32 s9, $0x7;
	p1 =	sgt.s32 s9, $0xC7;
	s25 =	sshra.s32 s9, $0x1F  }
0x10: {  	s23 =	smov.u32 s10;
	s24 =	sshra.s32 s10, $0x1F;
	s29 =	sand.u32 $0x7, s10  }
0x11: {  	s18 =	sand.u32 $0xFFFF8000, s18;
	s21 =	sand.u32 $0xFFFFFC00, s20;
	s20 =	sand.u32 $0xC00, s20  }
0x12: {  	s30 =	sand.u32 $0x380, s22;
	s22 =	sand.u32 s25, s9;
	s18 =	sadd.s32 s21, s18  }
0x13: {  	s19 =	sor.u32 s19, s20;
	s20 =	smov.u32 s9;
	s18 =	sshrl.u32 s18, $0xC  }
0x14: {  	s20 =	simm.s32 @!p1 $0xC7;
	p1 =	sgt.s32 s10, $0xF80;
	s31 =	smulhi.u32 $0x147AE15, s18  }
0x15: {  	s26 =	sand.u32 s24, s10;
	s20 =	ssub.s32 s20, s22;
	s23 =	simm.s32 @!p1 $0xF80  }
0x16: {  	s27 =	ssub.s32 $0xC8, s20;
	s22 =	ssub.s32 s23, s26;
	s21 =	smul.u32 $0xC8, s31  }
0x17: {  	s20 =	sadd.s32 $0xFFFFFF39, s20;
	s23 =	smul.u32 $0x33, s27;
	s28 =	sadd.s32 $0xFFFFF080, s22  }
0x18: {  	p1 =	sgt.s32 s20, $0x0;
	s20 =	ssub.s32 $0x1000, s22;
	p2 =	sgt.s32 s28, $0x7F  }
0x19: {  	s19 =	sor.u32 s30, s19;
	s23 =	simm.s32 @p1 $0x0;
	s20 =	simm.s32 @p2 $0x0  }
0x1a: {  	[tilespmem:s17+$0x810 ss:$0x81] =	vst.msk $0xffff, v2;
	s19 =	sshrl.u32 s19, $0x3;
	s18 =	ssub.s32 s18, s21;
	s20 =	smul.u32 s20, s23  }
0x1b: {  	[tilespmem:s17+$0x1020 ss:$0x81] =	vst.msk $0xffff, v0;
	s19 =	sadd.s32 s3, s19;
	s21 =	sshll.u32 s29, $0x12;
	s18 =	sshll.u32 s18, $0x9  }
0x1c: {  	[tilespmem:s17+$0x0 ss:$0x81] =	vst.msk $0xffff, v1;
	s31 =	sor.u32 $0x80, s21;
	s18 =	sadd.s32 s18, s19;
	s30 =	sand.u32 $0x3FFFFFFF, s20  }
0x1d: {  	[hbm4b:s18+s31] =	stream.strided.scatter [tilespmem:s16], [sflag:$0x2], s30, s8, s31, $0x20;
	[tilespmem:$0x8080] =	vst v63  }
.LBB1_5:
0x1e: {  	p1 =	slt.u32 s13, $0x2  }
0x1f: {  	s17 =	smov.u32 s15;
	p2 =	sgt.s32 @!p1 s15, $0xC7;
	s16 =	sshra.s32 @!p1 s15, $0x1F  }
0x20: {  	p3 =	sgt.s32 @!p1 s14, $0xF80;
	s18 =	sshra.s32 @!p1 s14, $0x1F;
	p2 =	por !p2, p1  }
0x21: {  	s15 =	sand.u32 @!p1 s16, s15;
	p3 =	por !p3, p1;
	s16 =	smov.u32 s14  }
0x22: {  	s14 =	sand.u32 @!p1 s18, s14;
	s17 =	simm.s32 @p2 $0xC7;
	s16 =	simm.s32 @p3 $0xF80  }
0x23: {  	s18 =	smov.u32 s12;
	s15 =	ssub.s32 @!p1 s17, s15;
	s14 =	ssub.s32 @!p1 s16, s14  }
0x24: {  	s16 =	sadd.s32 @!p1 $0xFFFFFF39, s15;
	s15 =	ssub.s32 @!p1 $0xC8, s15;
	s17 =	sadd.s32 @!p1 $0xFFFFF080, s14  }
0x25: {  	p2 =	sgt.s32 @!p1 s16, $0x0;
	s15 =	smul.u32 @!p1 $0x33, s15;
	p3 =	sgt.s32 @!p1 s17, $0x7F  }
0x26: {  	s14 =	ssub.s32 @!p1 $0x1000, s14;
	p2 =	por !p2, p1;
	p3 =	por !p3, p1  }
0x27: {  	s16 =	sadd.s32 $0x1, s11;
	s15 =	simm.s32 @!p2 $0x0;
	s14 =	simm.s32 @!p3 $0x0  }
0x28: {  	p2 =	sgt.s32 s16, $0xC7;
	s14 =	smul.u32 @!p1 s14, s15;
	s15 =	sadd.s32 $0x1000, s12  }
0x29: {  	s18 =	smov.u32 @p2 s15  }
0x2a: {  	s16 =	simm.s32 @p2 $0x0;
	p2 =	sgt.s32 s18, $0xFFF  }
0x2b: {  	s18 =	smov.u32 @p2 s2;
	p2 =	sne.s32 s13, s7  }
.Ltmp1:
0x2c: {  	p0 =	por !p0, !p0;
	s17 =	simm.s32 @!p1 $0x2;
	(pc) =	sbr.rel @!p2 .LBB1_6-.Ltmp1, $4  }
0x2d: {  	s15 =	smov.u32 s9;
	s9 =	smov.u32 s11;
	s14 =	sand.u32 @!p1 $0x3FFFFFFF, s14  }
0x2e: {  	s11 =	smov.u32 s16;
	_ =	swait.ge @!p1 [sflag:s17], s14;
	s19 =	ssub.s32 @!p1 $0x0, s14  }
0x2f: {  	s14 =	smov.u32 s10;
	s13 =	sadd.s32 $0x1, s13;
	[sflag:s17] =	ssyncset.done @!p1 $0x0  }
0x30: {  	s10 =	smov.u32 s12;
	s12 =	smov.u32 s18;
	[sflag:s17] =	ssyncadd.s32 @!p1 s19  }
.LBB1_1:
0x31: {  	p1 =	sge.u32 s13, s5  }
0x32: {  	s16 =	sand.u32 @!p1 $0x1FFFFFF, s11  }
0x33: {  	s17 =	smulhi.u32 @!p1 $0x147AE15, s16;
	_ =	sdelay $0x1  }
0x34: {  	s17 =	smul.u32 @!p1 $0xC8, s17  }
0x35: {  	s18 =	sxor.u32 @!p1 $0xFFFFFFFF, s13;
	s19 =	smul.u32 @!p1 $0xC80, s12  }
0x36: {  	s31 =	sadd.s32 $0xFFFFFFFF, s13;
	s18 =	sshll.u32 @!p1 s18, $0xD;
	s16 =	ssub.s32 @!p1 s16, s17  }
0x37: {  	s17 =	sand.u32 @!p1 $0x2000, s18;
	s18 =	sadd.s32 @!p1 s6, s19;
	s16 =	sshll.u32 @!p1 s16, $0x4  }
0x38: {  	s19 =	simm.s32 @!p1 $0x6400;
	s16 =	sadd.s32 @!p1 s16, s18;
	s18 =	simm.s32 @!p1 $0x40  }
0x39: {  	[tilespmem:s17], [sflag:$0x1] =	stream.strided.gather @!p1 [hbm4b:s16+s18], $0x2000, s19, s18, $0x38;
	[tilespmem:$0x8080] =	vst v63  }
0x3a: {  	p1 =	sge.u32 s31, s5  }
.Ltmp2:
0x3b: {  	_ = 	snop;
	(pc) =	sbr.rel @p1 .LBB1_5-.Ltmp2, $1  }
0x3c: {  	_ =	sdelay $0x3  }
0x3d: {  	s16 =	simm.s32 $0x1  }
0x3e: {  	_ =	swait.ge [sflag:s4], $0x2000;
	s16 =	simm.s32 @!p0 $0x0  }
0x3f: {  	[sflag:s4] =	ssyncset.done $0x0;
	s17 =	sshll.u32 s16, $0xD  }
0x40: {  	[sflag:s4] =	ssyncadd.s32 $0xFFFFE000;
	s20 =	sor.u32 $0x20, s17  }
0x41: {  	s16 =	smul.u32 $0x8100, s16;
	v3 =	vld [tilespmem:s20+$0x10]  }
0x42: {  	s30 =	sand.u32 $0x1, s13;
	v2 =	vld [tilespmem:s20+$0xFFFFFFF0]  }
0x43: {  	s17 =	smul.u32 $0x8100, s30;
	s16 =	sshrl.u32 s16, $0x2;
	v0 =	vld [tilespmem:s20+$0x0]  }
0x44: {  	v1 =	vld [tilespmem:s20+$0xFFFFFFE0];
	s18 =	sor.u32 $0x4000, s16  }
0x45: {  	s31 =	sshrl.u32 s17, $0x2;
	s17 =	sadd.s32 $0x0, s18  }
0x46: {  	s19 =	simm.s32 $0x4;
	s20 =	sadd.s32 $0x40, s20;
	s16 =	sor.u32 $0x4000, s31;
	[tilespmem:s17+$0x1830 ss:$0x81] =	vst.msk $0xffff, v3  }
.LBB1_3:
0x47: {  	v3 =	vld [tilespmem:s20+$0x10];
	p1 =	sne.s32 s19, $0x1FC;
	[tilespmem:s17+$0x810 ss:$0x81] =	vst.msk $0xffff, v2;
	s21 =	smov.u32 s19;
	s19 =	sadd.s32 $0x4, s19  }
.Ltmp3:
0x48: {  	v2 =	vld [tilespmem:s20+$0xFFFFFFF0];
	[tilespmem:s17+$0x1020 ss:$0x81] =	vst.msk $0xffff, v0;
	(pc) =	sbr.rel @p1 .LBB1_3-.Ltmp3, $4  }
0x49: {  	v0 =	vld [tilespmem:s20+$0x0];
	[tilespmem:s17+$0x0 ss:$0x81] =	vst.msk $0xffff, v1  }
0x4a: {  	s17 =	sshra.s32 s21, $0x2;
	v1 =	vld [tilespmem:s20+$0xFFFFFFE0]  }
0x4b: {  	s17 =	sadd.s32 s17, s18  }
0x4c: {  	s20 =	sadd.s32 $0x40, s20;
	[tilespmem:s17+$0x1830 ss:$0x81] =	vst.msk $0xffff, v3  }
.Ltmp4:
0x4d: {  	_ = 	snop;
	(pc) =	sbr.rel .LBB1_4-.Ltmp4, $1  }
0x4e: {  	_ =	sdelay $0x3  }
.LBB1_6:
0x4f: {  	_ =	sfence.sel $0x180000  }
0x50: {  	s2 =	simm.s32 $0x1;
	[bflag:$0x0] =	sbarrier.arrive $0xFFFF  }
0x51: {  	s31 =	simm.s32 $0x2;
	[sflag:s2] =	ssyncpa.u1 $0x1  }
0x52: {  	[sflag:s31] =	ssyncpa.u1 $0x1  }
0x53: {  	p0 =	sne.s32 s0, $0x0;
	_ =	strace $0x9000004A  }
0x54: {  	s0 =	sadd.s32 @!p0 $0x100000, s1;
	[bflag:$0x2] =	sbarrier.arrive $0xFFFF  }
0x55: {  	[sflag:s0] =	ssyncadd.tile.s32 @!p0 $0x1;
	_ =	shalt  }
.Lfunc_end1:
_tile_overlayer_lowered:
.L_overlay_start_2:
0x56: {  	(tag) =	ssettag $0x2  }
0x57: {  	s0 =	rddreg [dreg:$0x0];
	s2 =	stileid.u32  }
0x58: {  	s1 =	rddreg [dreg:$0x1];
	p0 =	sne.s32 s2, $0x0  }
0x59: {  	s3 =	rddreg [dreg:$0x2];
	[bflag:$0x3] =	sbarrier.arrive $0xFFFF;
	s2 =	simm.s32 @!p0 $0x1C01  }
0x5a: {  	[timem:s3], [sflag:s2] =	dma.local @!p0 [hbm:s0], s1  }
0x5b: {  	s0 =	simm.s32 @!p0 $0x1  }
0x5c: {  	_ =	swait.ge @!p0 [sflag:s0], s1  }
0x5d: {  	s1 =	ssub.s32 @!p0 $0x0, s1;
	[sflag:s0] =	ssyncset.done @!p0 $0x0  }
0x5e: {  	[sflag:s0] =	ssyncadd.s32 @!p0 s1  }
0x5f: {  	[bflag:$0x3] =	sbarrier.arrive $0xFFFF  }
0x60: {  	_ =	shalt  }

</sc_bundles>
